<compile_context>
chip_gen: v7x
topology: tpu7x:2x2x1
jax: 0.10.2.dev20260603
libtpu: 0.0.44.dev20260713+nightly
codegen_flags: <defaults>
</compile_context>

<pallas_src>
import functools

import jax
import jax.numpy as jnp
from jax import lax
from jax.experimental import pallas as pl
from jax.experimental.pallas import tpu as pltpu
from jax.experimental.pallas import tpu_sc as plsc

_B, _T, _D, _CD, _K = 16, 576, 768, 64, 8192
_N = _B * _T

_M = 1024
_M3 = 1024


def _k1_body(x_ref, win_ref, bin_ref, cb_ref, idx_ref, lat_ref, c2_ref):
    @pl.when(pl.program_id(0) == 0)
    def _():
        cbv = cb_ref[...]
        c2_ref[...] = jnp.sum(cbv * cbv, axis=0, keepdims=True)

    lat = jnp.dot(x_ref[...], win_ref[...],
                  preferred_element_type=jnp.float32) + bin_ref[...]
    l2 = jnp.sum(lat * lat, axis=1, keepdims=True)
    lat2 = lat * 2.0

    cb = cb_ref[...]
    c2 = c2_ref[...]
    h = _M // 2
    s_a = jnp.dot(lat2[:h], cb, preferred_element_type=jnp.float32)
    s_b = jnp.dot(lat2[h:], cb, preferred_element_type=jnp.float32)
    d2_a = (l2[:h] - s_a) + c2
    d2_b = (l2[h:] - s_b) + c2
    idx_ref[pl.ds(0, h)] = jnp.argmin(d2_a, axis=1).astype(jnp.int32)
    idx_ref[pl.ds(h, h)] = jnp.argmin(d2_b, axis=1).astype(jnp.int32)
    lat_ref[...] = lat


def _k1_call(x2d, w_in, b_in2, cbt, interpret=False):
    grid = (_N // _M,)
    return pl.pallas_call(
        _k1_body,
        grid=grid,
        in_specs=[
            pl.BlockSpec((_M, _D), lambda i: (i, 0)),
            pl.BlockSpec((_D, _CD), lambda i: (0, 0)),
            pl.BlockSpec((1, _CD), lambda i: (0, 0)),
            pl.BlockSpec((_CD, _K), lambda i: (0, 0)),
        ],
        out_specs=[
            pl.BlockSpec((_M,), lambda i: (i,)),
            pl.BlockSpec((_M, _CD), lambda i: (i, 0)),
        ],
        out_shape=[
            jax.ShapeDtypeStruct((_N,), jnp.int32),
            jax.ShapeDtypeStruct((_N, _CD), jnp.float32),
        ],
        scratch_shapes=[
            pltpu.VMEM((1, _K), jnp.float32),
        ],
        interpret=interpret,
    )(x2d, w_in, b_in2, cbt)


_NW = 32
_BPW = _N // _NW
_CHUNK = 96


def _sc_gather(codebook_packed, idx):
    mesh = plsc.VectorSubcoreMesh(core_axis_name="c", subcore_axis_name="s")

    @functools.partial(
        pl.kernel,
        mesh=mesh,
        out_type=jax.ShapeDtypeStruct((_N, 2 * _CD), jnp.float32),
        scratch_types=[
            pltpu.VMEM((_BPW,), jnp.int32),
            pltpu.VMEM((_BPW,), jnp.int32),
            pltpu.VMEM((_BPW, 2 * _CD), jnp.float32),
            pltpu.SemaphoreType.DMA,
        ],
    )
    def gather_k(table_hbm, idx_hbm, out_hbm, idx_v, pidx_v, rows_v, sem):
        wid = lax.axis_index("s") * 2 + lax.axis_index("c")
        base = wid * _BPW
        pltpu.sync_copy(idx_hbm.at[pl.ds(base, _BPW)], idx_v)
        for c in range(_BPW // 16):
            pidx_v[pl.ds(c * 16, 16)] = jnp.right_shift(
                idx_v[pl.ds(c * 16, 16)], 1)
        copies = []
        for c in range(_BPW // _CHUNK):
            copies.append(pltpu.async_copy(
                table_hbm.at[pidx_v.at[pl.ds(c * _CHUNK, _CHUNK)]],
                rows_v.at[pl.ds(c * _CHUNK, _CHUNK), :],
                sem))
        for cp in copies:
            cp.wait()
        pltpu.sync_copy(rows_v, out_hbm.at[pl.ds(base, _BPW)])

    return gather_k(codebook_packed, idx)


def _k3_body(pq_ref, idx_ref, wout_ref, bout_ref, lat_ref, qf_ref, loss_ref):
    i = pl.program_id(0)
    odd = (idx_ref[...] & 1)[:, None] == 1
    pq = pq_ref[...]
    q = jnp.where(odd, pq[:, _CD:], pq[:, :_CD])
    qf_ref[...] = jnp.dot(q, wout_ref[...],
                          preferred_element_type=jnp.float32) + bout_ref[...]
    e = q - lat_ref[...]
    part = jnp.sum(e * e).reshape(1, 1)

    @pl.when(i == 0)
    def _():
        loss_ref[...] = jnp.zeros((1, 1), jnp.float32)

    acc = loss_ref[...] + part

    @pl.when(i < _N // _M3 - 1)
    def _():
        loss_ref[...] = acc

    @pl.when(i == _N // _M3 - 1)
    def _():
        loss_ref[...] = acc * (1.25 / (_N * _CD))


def _k3_call(pquant, idx, w_out, b_out2, lat, interpret=False):
    grid = (_N // _M3,)
    return pl.pallas_call(
        _k3_body,
        grid=grid,
        in_specs=[
            pl.BlockSpec((_M3, 2 * _CD), lambda i: (i, 0)),
            pl.BlockSpec((_M3,), lambda i: (i,)),
            pl.BlockSpec((_CD, _D), lambda i: (0, 0)),
            pl.BlockSpec((1, _D), lambda i: (0, 0)),
            pl.BlockSpec((_M3, _CD), lambda i: (i, 0)),
        ],
        out_specs=[
            pl.BlockSpec((_M3, _D), lambda i: (i, 0)),
            pl.BlockSpec((1, 1), lambda i: (0, 0)),
        ],
        out_shape=[
            jax.ShapeDtypeStruct((_N, _D), jnp.float32),
            jax.ShapeDtypeStruct((1, 1), jnp.float32),
        ],
        interpret=interpret,
    )(pquant, idx, w_out, b_out2, lat)


def kernel(x, W_in, b_in, W_out, b_out, codebook):
    x2d = x.reshape(_N, _D)
    idx, lat = _k1_call(x2d, W_in, b_in.reshape(1, _CD), codebook.T)
    pquant = _sc_gather(codebook.reshape(_K // 2, 2 * _CD), idx)
    qf2d, loss = _k3_call(pquant, idx, W_out, b_out.reshape(1, _D), lat)
    return qf2d.reshape(_B, _T, _D), idx.reshape(_B, _T), loss.reshape(())

# --- scband reference (transcript-rebuilt; emitter-appended) ---
"""Pipeline reference for scband-vqembed-42631845380237 (READ-ONLY COPY).

The authoritative reference and input builder live on the scoring server;
editing this copy changes nothing except your own understanding.
"""

import jax, jax.numpy as jnp
import numpy as np

B, T, D, CD, K = 16, 576, 768, 64, 8192

def setup_inputs(seed: int = 0) -> dict:
    key = jax.random.key(seed)
    ks = jax.random.split(key, 5)
    x = jax.random.normal(ks[0], (B, T, D), dtype=jnp.float32)
    W_in = jax.random.normal(ks[1], (D, CD), dtype=jnp.float32) * (1.0 / np.sqrt(D))
    b_in = jnp.zeros((CD,), dtype=jnp.float32)
    W_out = jax.random.normal(ks[2], (CD, D), dtype=jnp.float32) * (1.0 / np.sqrt(CD))
    b_out = jnp.zeros((D,), dtype=jnp.float32)
    codebook = jax.random.normal(ks[3], (K, CD), dtype=jnp.float32)
    return {"x": x, "W_in": W_in, "b_in": b_in, "W_out": W_out, "b_out": b_out, "codebook": codebook}

def reference(x, W_in, b_in, W_out, b_out, codebook):
    # project_in
    latents = x @ W_in + b_in
    # vector quantize: nearest codebook entry by L2 distance
    flat = latents.reshape(-1, CD)
    d2 = (jnp.sum(flat ** 2, axis=1, keepdims=True)
          - 2.0 * flat @ codebook.T
          + jnp.sum(codebook ** 2, axis=1)[None, :])
    indices = jnp.argmin(d2, axis=1)
    quantized = jnp.take(codebook, indices, axis=0).reshape(B, T, CD)
    # VQ losses (codebook loss + commitment loss, beta=0.25)
    commit = jnp.mean((jax.lax.stop_gradient(quantized) - latents) ** 2)
    codebook_loss = jnp.mean((quantized - jax.lax.stop_gradient(latents)) ** 2)
    vq_loss = codebook_loss + 0.25 * commit
    # straight-through estimator
    q_st = latents + jax.lax.stop_gradient(quantized - latents)
    # project_out
    q_features = q_st @ W_out + b_out
    return q_features, indices.reshape(B, T), vq_loss

if __name__ == "__main__":
    import jax
    _d = setup_inputs()
    print(jax.jit(kernel)(*tuple(_d.values())))

</pallas_src>

<mosaic_0001>
#map = affine_map<(d0, d1) -> (0, 0)>
#map1 = affine_map<(d0, d1) -> (0)>
module attributes {stable_mosaic.version = 14 : i64} {
  func.func @gather_k(%arg0: i32, %arg1: i32, %arg2: memref<4096x128xf32, #tpu.memory_space<hbm>>, %arg3: memref<9216xi32, #tpu.memory_space<hbm>>, %arg4: memref<9216x128xf32, #tpu.memory_space<hbm>>, %arg5: memref<288xi32, #tpu.memory_space<vmem>>, %arg6: memref<288xi32, #tpu.memory_space<vmem>>, %arg7: memref<288x128xf32, #tpu.memory_space<vmem>>, %arg8: memref<!tpu.dma_semaphore, #tpu.memory_space<semaphore_mem>>) attributes {dimension_semantics = [#tpu.dimension_semantics<core_parallel>, #tpu.dimension_semantics<subcore_parallel>], iteration_bounds = array<i64: 2, 16>, scalar_prefetch = 0 : i64, scratch_operands = 4 : i64, tpu.core_type = #tpu.core_type<sc_vector_subcore>, window_params = [{transform_indices = #map}, {transform_indices = #map1}, {transform_indices = #map}]} {
    %mul3A = arith.constant 2 : i32
    %mul3A_0 = arith.muli %arg1, %mul3A : i32
    %add3A = arith.addi %mul3A_0, %arg0 : i32
    %mul3A_1 = arith.constant 288 : i32
    %mul3A_2 = arith.muli %add3A, %mul3A_1 : i32
    "tpu.region"() ({
      %run_scoped3A = tpu.sem_alloc : memref<!tpu.dma_semaphore, #tpu.memory_space<semaphore_mem>>
      %dma_start3A_226 = tpu.memref_slice %arg3[%mul3A_2] : memref<9216xi32, #tpu.memory_space<hbm>> -> memref<288xi32, #tpu.memory_space<hbm>>
      %dma_start3A_227 = tpu.memref_slice %arg3[%mul3A_2] : memref<9216xi32, #tpu.memory_space<hbm>> -> memref<288xi32, #tpu.memory_space<hbm>>
      tpu.enqueue_dma source(%dma_start3A_227 : memref<288xi32, #tpu.memory_space<hbm>>) target(%arg5 : memref<288xi32, #tpu.memory_space<vmem>>) target_semaphore(%run_scoped3A : memref<!tpu.dma_semaphore, #tpu.memory_space<semaphore_mem>>)
      %dma_wait3A_228 = tpu.memref_slice %arg3[%mul3A_2] : memref<9216xi32, #tpu.memory_space<hbm>> -> memref<288xi32, #tpu.memory_space<hbm>>
      %dma_wait3A_229 = tpu.memref_slice %arg3[%mul3A_2] : memref<9216xi32, #tpu.memory_space<hbm>> -> memref<288xi32, #tpu.memory_space<hbm>>
      tpu.wait_dma2 semaphore(%run_scoped3A : memref<!tpu.dma_semaphore, #tpu.memory_space<semaphore_mem>>) src(%dma_wait3A_229 : memref<288xi32, #tpu.memory_space<hbm>>) dst(%arg5 : memref<288xi32, #tpu.memory_space<vmem>>)
      tpu.yield
    }) : () -> ()
    %get3A = arith.constant 0 : index
    %get3A_3 = tpu.vector_load %arg5[%get3A] {strides = array<i32>} : memref<288xi32, #tpu.memory_space<vmem>>, vector<16xi32>,
    %get3A_4 = vector.shape_cast %get3A_3 : vector<16xi32> to vector<16xi32>
    %shift_right_arithmetic3A = arith.constant 1 : i32
    %shift_right_arithmetic3A_5 = vector.broadcast %shift_right_arithmetic3A : i32 to vector<16xi32>
    %shift_right_arithmetic3A_6 = arith.shrsi %get3A_4, %shift_right_arithmetic3A_5 : vector<16xi32>
    %swap3A = arith.constant 0 : index
    %swap3A_7 = tpu.vector_load %arg6[%swap3A] {strides = array<i32>} : memref<288xi32, #tpu.memory_space<vmem>>, vector<16xi32>,
    %swap3A_8 = vector.shape_cast %swap3A_7 : vector<16xi32> to vector<16xi32>
    %swap3A_9 = vector.shape_cast %shift_right_arithmetic3A_6 : vector<16xi32> to vector<16xi32>
    tpu.vector_store %arg6[%swap3A], %swap3A_9 {strides = array<i32>} : memref<288xi32, #tpu.memory_space<vmem>>, vector<16xi32>,
    %get3A_10 = arith.constant 16 : index
    %get3A_11 = tpu.vector_load %arg5[%get3A_10] {strides = array<i32>} : memref<288xi32, #tpu.memory_space<vmem>>, vector<16xi32>,
    %get3A_12 = vector.shape_cast %get3A_11 : vector<16xi32> to vector<16xi32>
    %shift_right_arithmetic3A_13 = arith.constant 1 : i32
    %shift_right_arithmetic3A_14 = vector.broadcast %shift_right_arithmetic3A_13 : i32 to vector<16xi32>
    %shift_right_arithmetic3A_15 = arith.shrsi %get3A_12, %shift_right_arithmetic3A_14 : vector<16xi32>
    %swap3A_16 = arith.constant 16 : index
    %swap3A_17 = tpu.vector_load %arg6[%swap3A_16] {strides = array<i32>} : memref<288xi32, #tpu.memory_space<vmem>>, vector<16xi32>,
    %swap3A_18 = vector.shape_cast %swap3A_17 : vector<16xi32> to vector<16xi32>
    %swap3A_19 = vector.shape_cast %shift_right_arithmetic3A_15 : vector<16xi32> to vector<16xi32>
    tpu.vector_store %arg6[%swap3A_16], %swap3A_19 {strides = array<i32>} : memref<288xi32, #tpu.memory_space<vmem>>, vector<16xi32>,
    %get3A_20 = arith.constant 32 : index
    %get3A_21 = tpu.vector_load %arg5[%get3A_20] {strides = array<i32>} : memref<288xi32, #tpu.memory_space<vmem>>, vector<16xi32>,
    %get3A_22 = vector.shape_cast %get3A_21 : vector<16xi32> to vector<16xi32>
    %shift_right_arithmetic3A_23 = arith.constant 1 : i32
    %shift_right_arithmetic3A_24 = vector.broadcast %shift_right_arithmetic3A_23 : i32 to vector<16xi32>
    %shift_right_arithmetic3A_25 = arith.shrsi %get3A_22, %shift_right_arithmetic3A_24 : vector<16xi32>
    %swap3A_26 = arith.constant 32 : index
    %swap3A_27 = tpu.vector_load %arg6[%swap3A_26] {strides = array<i32>} : memref<288xi32, #tpu.memory_space<vmem>>, vector<16xi32>,
    %swap3A_28 = vector.shape_cast %swap3A_27 : vector<16xi32> to vector<16xi32>
    %swap3A_29 = vector.shape_cast %shift_right_arithmetic3A_25 : vector<16xi32> to vector<16xi32>
    tpu.vector_store %arg6[%swap3A_26], %swap3A_29 {strides = array<i32>} : memref<288xi32, #tpu.memory_space<vmem>>, vector<16xi32>,
    %get3A_30 = arith.constant 48 : index
    %get3A_31 = tpu.vector_load %arg5[%get3A_30] {strides = array<i32>} : memref<288xi32, #tpu.memory_space<vmem>>, vector<16xi32>,
    %get3A_32 = vector.shape_cast %get3A_31 : vector<16xi32> to vector<16xi32>
    %shift_right_arithmetic3A_33 = arith.constant 1 : i32
    %shift_right_arithmetic3A_34 = vector.broadcast %shift_right_arithmetic3A_33 : i32 to vector<16xi32>
    %shift_right_arithmetic3A_35 = arith.shrsi %get3A_32, %shift_right_arithmetic3A_34 : vector<16xi32>
    %swap3A_36 = arith.constant 48 : index
    %swap3A_37 = tpu.vector_load %arg6[%swap3A_36] {strides = array<i32>} : memref<288xi32, #tpu.memory_space<vmem>>, vector<16xi32>,
    %swap3A_38 = vector.shape_cast %swap3A_37 : vector<16xi32> to vector<16xi32>
    %swap3A_39 = vector.shape_cast %shift_right_arithmetic3A_35 : vector<16xi32> to vector<16xi32>
    tpu.vector_store %arg6[%swap3A_36], %swap3A_39 {strides = array<i32>} : memref<288xi32, #tpu.memory_space<vmem>>, vector<16xi32>,
    %get3A_40 = arith.constant 64 : index
    %get3A_41 = tpu.vector_load %arg5[%get3A_40] {strides = array<i32>} : memref<288xi32, #tpu.memory_space<vmem>>, vector<16xi32>,
    %get3A_42 = vector.shape_cast %get3A_41 : vector<16xi32> to vector<16xi32>
    %shift_right_arithmetic3A_43 = arith.constant 1 : i32
    %shift_right_arithmetic3A_44 = vector.broadcast %shift_right_arithmetic3A_43 : i32 to vector<16xi32>
    %shift_right_arithmetic3A_45 = arith.shrsi %get3A_42, %shift_right_arithmetic3A_44 : vector<16xi32>
    %swap3A_46 = arith.constant 64 : index
    %swap3A_47 = tpu.vector_load %arg6[%swap3A_46] {strides = array<i32>} : memref<288xi32, #tpu.memory_space<vmem>>, vector<16xi32>,
    %swap3A_48 = vector.shape_cast %swap3A_47 : vector<16xi32> to vector<16xi32>
    %swap3A_49 = vector.shape_cast %shift_right_arithmetic3A_45 : vector<16xi32> to vector<16xi32>
    tpu.vector_store %arg6[%swap3A_46], %swap3A_49 {strides = array<i32>} : memref<288xi32, #tpu.memory_space<vmem>>, vector<16xi32>,
    %get3A_50 = arith.constant 80 : index
    %get3A_51 = tpu.vector_load %arg5[%get3A_50] {strides = array<i32>} : memref<288xi32, #tpu.memory_space<vmem>>, vector<16xi32>,
    %get3A_52 = vector.shape_cast %get3A_51 : vector<16xi32> to vector<16xi32>
    %shift_right_arithmetic3A_53 = arith.constant 1 : i32
    %shift_right_arithmetic3A_54 = vector.broadcast %shift_right_arithmetic3A_53 : i32 to vector<16xi32>
    %shift_right_arithmetic3A_55 = arith.shrsi %get3A_52, %shift_right_arithmetic3A_54 : vector<16xi32>
    %swap3A_56 = arith.constant 80 : index
    %swap3A_57 = tpu.vector_load %arg6[%swap3A_56] {strides = array<i32>} : memref<288xi32, #tpu.memory_space<vmem>>, vector<16xi32>,
    %swap3A_58 = vector.shape_cast %swap3A_57 : vector<16xi32> to vector<16xi32>
    %swap3A_59 = vector.shape_cast %shift_right_arithmetic3A_55 : vector<16xi32> to vector<16xi32>
    tpu.vector_store %arg6[%swap3A_56], %swap3A_59 {strides = array<i32>} : memref<288xi32, #tpu.memory_space<vmem>>, vector<16xi32>,
    %get3A_60 = arith.constant 96 : index
    %get3A_61 = tpu.vector_load %arg5[%get3A_60] {strides = array<i32>} : memref<288xi32, #tpu.memory_space<vmem>>, vector<16xi32>,
    %get3A_62 = vector.shape_cast %get3A_61 : vector<16xi32> to vector<16xi32>
    %shift_right_arithmetic3A_63 = arith.constant 1 : i32
    %shift_right_arithmetic3A_64 = vector.broadcast %shift_right_arithmetic3A_63 : i32 to vector<16xi32>
    %shift_right_arithmetic3A_65 = arith.shrsi %get3A_62, %shift_right_arithmetic3A_64 : vector<16xi32>
    %swap3A_66 = arith.constant 96 : index
    %swap3A_67 = tpu.vector_load %arg6[%swap3A_66] {strides = array<i32>} : memref<288xi32, #tpu.memory_space<vmem>>, vector<16xi32>,
    %swap3A_68 = vector.shape_cast %swap3A_67 : vector<16xi32> to vector<16xi32>
    %swap3A_69 = vector.shape_cast %shift_right_arithmetic3A_65 : vector<16xi32> to vector<16xi32>
    tpu.vector_store %arg6[%swap3A_66], %swap3A_69 {strides = array<i32>} : memref<288xi32, #tpu.memory_space<vmem>>, vector<16xi32>,
    %get3A_70 = arith.constant 112 : index
    %get3A_71 = tpu.vector_load %arg5[%get3A_70] {strides = array<i32>} : memref<288xi32, #tpu.memory_space<vmem>>, vector<16xi32>,
    %get3A_72 = vector.shape_cast %get3A_71 : vector<16xi32> to vector<16xi32>
    %shift_right_arithmetic3A_73 = arith.constant 1 : i32
    %shift_right_arithmetic3A_74 = vector.broadcast %shift_right_arithmetic3A_73 : i32 to vector<16xi32>
    %shift_right_arithmetic3A_75 = arith.shrsi %get3A_72, %shift_right_arithmetic3A_74 : vector<16xi32>
    %swap3A_76 = arith.constant 112 : index
    %swap3A_77 = tpu.vector_load %arg6[%swap3A_76] {strides = array<i32>} : memref<288xi32, #tpu.memory_space<vmem>>, vector<16xi32>,
    %swap3A_78 = vector.shape_cast %swap3A_77 : vector<16xi32> to vector<16xi32>
    %swap3A_79 = vector.shape_cast %shift_right_arithmetic3A_75 : vector<16xi32> to vector<16xi32>
    tpu.vector_store %arg6[%swap3A_76], %swap3A_79 {strides = array<i32>} : memref<288xi32, #tpu.memory_space<vmem>>, vector<16xi32>,
    %get3A_80 = arith.constant 128 : index
    %get3A_81 = tpu.vector_load %arg5[%get3A_80] {strides = array<i32>} : memref<288xi32, #tpu.memory_space<vmem>>, vector<16xi32>,
    %get3A_82 = vector.shape_cast %get3A_81 : vector<16xi32> to vector<16xi32>
    %shift_right_arithmetic3A_83 = arith.constant 1 : i32
    %shift_right_arithmetic3A_84 = vector.broadcast %shift_right_arithmetic3A_83 : i32 to vector<16xi32>
    %shift_right_arithmetic3A_85 = arith.shrsi %get3A_82, %shift_right_arithmetic3A_84 : vector<16xi32>
    %swap3A_86 = arith.constant 128 : index
    %swap3A_87 = tpu.vector_load %arg6[%swap3A_86] {strides = array<i32>} : memref<288xi32, #tpu.memory_space<vmem>>, vector<16xi32>,
    %swap3A_88 = vector.shape_cast %swap3A_87 : vector<16xi32> to vector<16xi32>
    %swap3A_89 = vector.shape_cast %shift_right_arithmetic3A_85 : vector<16xi32> to vector<16xi32>
    tpu.vector_store %arg6[%swap3A_86], %swap3A_89 {strides = array<i32>} : memref<288xi32, #tpu.memory_space<vmem>>, vector<16xi32>,
    %get3A_90 = arith.constant 144 : index
    %get3A_91 = tpu.vector_load %arg5[%get3A_90] {strides = array<i32>} : memref<288xi32, #tpu.memory_space<vmem>>, vector<16xi32>,
    %get3A_92 = vector.shape_cast %get3A_91 : vector<16xi32> to vector<16xi32>
    %shift_right_arithmetic3A_93 = arith.constant 1 : i32
    %shift_right_arithmetic3A_94 = vector.broadcast %shift_right_arithmetic3A_93 : i32 to vector<16xi32>
    %shift_right_arithmetic3A_95 = arith.shrsi %get3A_92, %shift_right_arithmetic3A_94 : vector<16xi32>
    %swap3A_96 = arith.constant 144 : index
    %swap3A_97 = tpu.vector_load %arg6[%swap3A_96] {strides = array<i32>} : memref<288xi32, #tpu.memory_space<vmem>>, vector<16xi32>,
    %swap3A_98 = vector.shape_cast %swap3A_97 : vector<16xi32> to vector<16xi32>
    %swap3A_99 = vector.shape_cast %shift_right_arithmetic3A_95 : vector<16xi32> to vector<16xi32>
    tpu.vector_store %arg6[%swap3A_96], %swap3A_99 {strides = array<i32>} : memref<288xi32, #tpu.memory_space<vmem>>, vector<16xi32>,
    %get3A_100 = arith.constant 160 : index
    %get3A_101 = tpu.vector_load %arg5[%get3A_100] {strides = array<i32>} : memref<288xi32, #tpu.memory_space<vmem>>, vector<16xi32>,
    %get3A_102 = vector.shape_cast %get3A_101 : vector<16xi32> to vector<16xi32>
    %shift_right_arithmetic3A_103 = arith.constant 1 : i32
    %shift_right_arithmetic3A_104 = vector.broadcast %shift_right_arithmetic3A_103 : i32 to vector<16xi32>
    %shift_right_arithmetic3A_105 = arith.shrsi %get3A_102, %shift_right_arithmetic3A_104 : vector<16xi32>
    %swap3A_106 = arith.constant 160 : index
    %swap3A_107 = tpu.vector_load %arg6[%swap3A_106] {strides = array<i32>} : memref<288xi32, #tpu.memory_space<vmem>>, vector<16xi32>,
    %swap3A_108 = vector.shape_cast %swap3A_107 : vector<16xi32> to vector<16xi32>
    %swap3A_109 = vector.shape_cast %shift_right_arithmetic3A_105 : vector<16xi32> to vector<16xi32>
    tpu.vector_store %arg6[%swap3A_106], %swap3A_109 {strides = array<i32>} : memref<288xi32, #tpu.memory_space<vmem>>, vector<16xi32>,
    %get3A_110 = arith.constant 176 : index
    %get3A_111 = tpu.vector_load %arg5[%get3A_110] {strides = array<i32>} : memref<288xi32, #tpu.memory_space<vmem>>, vector<16xi32>,
    %get3A_112 = vector.shape_cast %get3A_111 : vector<16xi32> to vector<16xi32>
    %shift_right_arithmetic3A_113 = arith.constant 1 : i32
    %shift_right_arithmetic3A_114 = vector.broadcast %shift_right_arithmetic3A_113 : i32 to vector<16xi32>
    %shift_right_arithmetic3A_115 = arith.shrsi %get3A_112, %shift_right_arithmetic3A_114 : vector<16xi32>
    %swap3A_116 = arith.constant 176 : index
    %swap3A_117 = tpu.vector_load %arg6[%swap3A_116] {strides = array<i32>} : memref<288xi32, #tpu.memory_space<vmem>>, vector<16xi32>,
    %swap3A_118 = vector.shape_cast %swap3A_117 : vector<16xi32> to vector<16xi32>
    %swap3A_119 = vector.shape_cast %shift_right_arithmetic3A_115 : vector<16xi32> to vector<16xi32>
    tpu.vector_store %arg6[%swap3A_116], %swap3A_119 {strides = array<i32>} : memref<288xi32, #tpu.memory_space<vmem>>, vector<16xi32>,
    %get3A_120 = arith.constant 192 : index
    %get3A_121 = tpu.vector_load %arg5[%get3A_120] {strides = array<i32>} : memref<288xi32, #tpu.memory_space<vmem>>, vector<16xi32>,
    %get3A_122 = vector.shape_cast %get3A_121 : vector<16xi32> to vector<16xi32>
    %shift_right_arithmetic3A_123 = arith.constant 1 : i32
    %shift_right_arithmetic3A_124 = vector.broadcast %shift_right_arithmetic3A_123 : i32 to vector<16xi32>
    %shift_right_arithmetic3A_125 = arith.shrsi %get3A_122, %shift_right_arithmetic3A_124 : vector<16xi32>
    %swap3A_126 = arith.constant 192 : index
    %swap3A_127 = tpu.vector_load %arg6[%swap3A_126] {strides = array<i32>} : memref<288xi32, #tpu.memory_space<vmem>>, vector<16xi32>,
    %swap3A_128 = vector.shape_cast %swap3A_127 : vector<16xi32> to vector<16xi32>
    %swap3A_129 = vector.shape_cast %shift_right_arithmetic3A_125 : vector<16xi32> to vector<16xi32>
    tpu.vector_store %arg6[%swap3A_126], %swap3A_129 {strides = array<i32>} : memref<288xi32, #tpu.memory_space<vmem>>, vector<16xi32>,
    %get3A_130 = arith.constant 208 : index
    %get3A_131 = tpu.vector_load %arg5[%get3A_130] {strides = array<i32>} : memref<288xi32, #tpu.memory_space<vmem>>, vector<16xi32>,
    %get3A_132 = vector.shape_cast %get3A_131 : vector<16xi32> to vector<16xi32>
    %shift_right_arithmetic3A_133 = arith.constant 1 : i32
    %shift_right_arithmetic3A_134 = vector.broadcast %shift_right_arithmetic3A_133 : i32 to vector<16xi32>
    %shift_right_arithmetic3A_135 = arith.shrsi %get3A_132, %shift_right_arithmetic3A_134 : vector<16xi32>
    %swap3A_136 = arith.constant 208 : index
    %swap3A_137 = tpu.vector_load %arg6[%swap3A_136] {strides = array<i32>} : memref<288xi32, #tpu.memory_space<vmem>>, vector<16xi32>,
    %swap3A_138 = vector.shape_cast %swap3A_137 : vector<16xi32> to vector<16xi32>
    %swap3A_139 = vector.shape_cast %shift_right_arithmetic3A_135 : vector<16xi32> to vector<16xi32>
    tpu.vector_store %arg6[%swap3A_136], %swap3A_139 {strides = array<i32>} : memref<288xi32, #tpu.memory_space<vmem>>, vector<16xi32>,
    %get3A_140 = arith.constant 224 : index
    %get3A_141 = tpu.vector_load %arg5[%get3A_140] {strides = array<i32>} : memref<288xi32, #tpu.memory_space<vmem>>, vector<16xi32>,
    %get3A_142 = vector.shape_cast %get3A_141 : vector<16xi32> to vector<16xi32>
    %shift_right_arithmetic3A_143 = arith.constant 1 : i32
    %shift_right_arithmetic3A_144 = vector.broadcast %shift_right_arithmetic3A_143 : i32 to vector<16xi32>
    %shift_right_arithmetic3A_145 = arith.shrsi %get3A_142, %shift_right_arithmetic3A_144 : vector<16xi32>
    %swap3A_146 = arith.constant 224 : index
    %swap3A_147 = tpu.vector_load %arg6[%swap3A_146] {strides = array<i32>} : memref<288xi32, #tpu.memory_space<vmem>>, vector<16xi32>,
    %swap3A_148 = vector.shape_cast %swap3A_147 : vector<16xi32> to vector<16xi32>
    %swap3A_149 = vector.shape_cast %shift_right_arithmetic3A_145 : vector<16xi32> to vector<16xi32>
    tpu.vector_store %arg6[%swap3A_146], %swap3A_149 {strides = array<i32>} : memref<288xi32, #tpu.memory_space<vmem>>, vector<16xi32>,
    %get3A_150 = arith.constant 240 : index
    %get3A_151 = tpu.vector_load %arg5[%get3A_150] {strides = array<i32>} : memref<288xi32, #tpu.memory_space<vmem>>, vector<16xi32>,
    %get3A_152 = vector.shape_cast %get3A_151 : vector<16xi32> to vector<16xi32>
    %shift_right_arithmetic3A_153 = arith.constant 1 : i32
    %shift_right_arithmetic3A_154 = vector.broadcast %shift_right_arithmetic3A_153 : i32 to vector<16xi32>
    %shift_right_arithmetic3A_155 = arith.shrsi %get3A_152, %shift_right_arithmetic3A_154 : vector<16xi32>
    %swap3A_156 = arith.constant 240 : index
    %swap3A_157 = tpu.vector_load %arg6[%swap3A_156] {strides = array<i32>} : memref<288xi32, #tpu.memory_space<vmem>>, vector<16xi32>,
    %swap3A_158 = vector.shape_cast %swap3A_157 : vector<16xi32> to vector<16xi32>
    %swap3A_159 = vector.shape_cast %shift_right_arithmetic3A_155 : vector<16xi32> to vector<16xi32>
    tpu.vector_store %arg6[%swap3A_156], %swap3A_159 {strides = array<i32>} : memref<288xi32, #tpu.memory_space<vmem>>, vector<16xi32>,
    %get3A_160 = arith.constant 256 : index
    %get3A_161 = tpu.vector_load %arg5[%get3A_160] {strides = array<i32>} : memref<288xi32, #tpu.memory_space<vmem>>, vector<16xi32>,
    %get3A_162 = vector.shape_cast %get3A_161 : vector<16xi32> to vector<16xi32>
    %shift_right_arithmetic3A_163 = arith.constant 1 : i32
    %shift_right_arithmetic3A_164 = vector.broadcast %shift_right_arithmetic3A_163 : i32 to vector<16xi32>
    %shift_right_arithmetic3A_165 = arith.shrsi %get3A_162, %shift_right_arithmetic3A_164 : vector<16xi32>
    %swap3A_166 = arith.constant 256 : index
    %swap3A_167 = tpu.vector_load %arg6[%swap3A_166] {strides = array<i32>} : memref<288xi32, #tpu.memory_space<vmem>>, vector<16xi32>,
    %swap3A_168 = vector.shape_cast %swap3A_167 : vector<16xi32> to vector<16xi32>
    %swap3A_169 = vector.shape_cast %shift_right_arithmetic3A_165 : vector<16xi32> to vector<16xi32>
    tpu.vector_store %arg6[%swap3A_166], %swap3A_169 {strides = array<i32>} : memref<288xi32, #tpu.memory_space<vmem>>, vector<16xi32>,
    %get3A_170 = arith.constant 272 : index
    %get3A_171 = tpu.vector_load %arg5[%get3A_170] {strides = array<i32>} : memref<288xi32, #tpu.memory_space<vmem>>, vector<16xi32>,
    %get3A_172 = vector.shape_cast %get3A_171 : vector<16xi32> to vector<16xi32>
    %shift_right_arithmetic3A_173 = arith.constant 1 : i32
    %shift_right_arithmetic3A_174 = vector.broadcast %shift_right_arithmetic3A_173 : i32 to vector<16xi32>
    %shift_right_arithmetic3A_175 = arith.shrsi %get3A_172, %shift_right_arithmetic3A_174 : vector<16xi32>
    %swap3A_176 = arith.constant 272 : index
    %swap3A_177 = tpu.vector_load %arg6[%swap3A_176] {strides = array<i32>} : memref<288xi32, #tpu.memory_space<vmem>>, vector<16xi32>,
    %swap3A_178 = vector.shape_cast %swap3A_177 : vector<16xi32> to vector<16xi32>
    %swap3A_179 = vector.shape_cast %shift_right_arithmetic3A_175 : vector<16xi32> to vector<16xi32>
    tpu.vector_store %arg6[%swap3A_176], %swap3A_179 {strides = array<i32>} : memref<288xi32, #tpu.memory_space<vmem>>, vector<16xi32>,
    %dma_start3A = arith.constant 0 : i32
    %dma_start3A_180 = arith.constant 0 : i32
    %dma_start3A_181 = tpu.memref_slice %arg7[%dma_start3A, %dma_start3A_180] : memref<288x128xf32, #tpu.memory_space<vmem>> -> memref<96x128xf32, #tpu.memory_space<vmem>>
    %dma_start3A_182 = arith.constant 0 : i32
    %dma_start3A_183 = tpu.memref_slice %arg6[%dma_start3A_182] : memref<288xi32, #tpu.memory_space<vmem>> -> memref<96xi32, #tpu.memory_space<vmem>>
    %dma_start3A_184 = arith.constant 0 : i32
    %dma_start3A_185 = arith.constant 0 : i32
    %dma_start3A_186 = tpu.memref_slice %arg2[%dma_start3A_184, %dma_start3A_185] : memref<4096x128xf32, #tpu.memory_space<hbm>> -> memref<4096x128xf32, #tpu.memory_space<hbm>>
    tpu.enqueue_indirect_dma source(%dma_start3A_186 : memref<4096x128xf32, #tpu.memory_space<hbm>>) target(%dma_start3A_181 : memref<96x128xf32, #tpu.memory_space<vmem>>) offsets(%dma_start3A_183 : memref<96xi32, #tpu.memory_space<vmem>>) semaphore(%arg8 : memref<!tpu.dma_semaphore, #tpu.memory_space<semaphore_mem>>)
    %dma_start3A_187 = arith.constant 96 : i32
    %dma_start3A_188 = arith.constant 0 : i32
    %dma_start3A_189 = tpu.memref_slice %arg7[%dma_start3A_187, %dma_start3A_188] : memref<288x128xf32, #tpu.memory_space<vmem>> -> memref<96x128xf32, #tpu.memory_space<vmem>>
    %dma_start3A_190 = arith.constant 96 : i32
    %dma_start3A_191 = tpu.memref_slice %arg6[%dma_start3A_190] : memref<288xi32, #tpu.memory_space<vmem>> -> memref<96xi32, #tpu.memory_space<vmem>>
    %dma_start3A_192 = arith.constant 0 : i32
    %dma_start3A_193 = arith.constant 0 : i32
    %dma_start3A_194 = tpu.memref_slice %arg2[%dma_start3A_192, %dma_start3A_193] : memref<4096x128xf32, #tpu.memory_space<hbm>> -> memref<4096x128xf32, #tpu.memory_space<hbm>>
    tpu.enqueue_indirect_dma source(%dma_start3A_194 : memref<4096x128xf32, #tpu.memory_space<hbm>>) target(%dma_start3A_189 : memref<96x128xf32, #tpu.memory_space<vmem>>) offsets(%dma_start3A_191 : memref<96xi32, #tpu.memory_space<vmem>>) semaphore(%arg8 : memref<!tpu.dma_semaphore, #tpu.memory_space<semaphore_mem>>)
    %dma_start3A_195 = arith.constant 192 : i32
    %dma_start3A_196 = arith.constant 0 : i32
    %dma_start3A_197 = tpu.memref_slice %arg7[%dma_start3A_195, %dma_start3A_196] : memref<288x128xf32, #tpu.memory_space<vmem>> -> memref<96x128xf32, #tpu.memory_space<vmem>>
    %dma_start3A_198 = arith.constant 192 : i32
    %dma_start3A_199 = tpu.memref_slice %arg6[%dma_start3A_198] : memref<288xi32, #tpu.memory_space<vmem>> -> memref<96xi32, #tpu.memory_space<vmem>>
    %dma_start3A_200 = arith.constant 0 : i32
    %dma_start3A_201 = arith.constant 0 : i32
    %dma_start3A_202 = tpu.memref_slice %arg2[%dma_start3A_200, %dma_start3A_201] : memref<4096x128xf32, #tpu.memory_space<hbm>> -> memref<4096x128xf32, #tpu.memory_space<hbm>>
    tpu.enqueue_indirect_dma source(%dma_start3A_202 : memref<4096x128xf32, #tpu.memory_space<hbm>>) target(%dma_start3A_197 : memref<96x128xf32, #tpu.memory_space<vmem>>) offsets(%dma_start3A_199 : memref<96xi32, #tpu.memory_space<vmem>>) semaphore(%arg8 : memref<!tpu.dma_semaphore, #tpu.memory_space<semaphore_mem>>)
    %dma_wait3A = arith.constant 0 : i32
    %dma_wait3A_203 = arith.constant 0 : i32
    %dma_wait3A_204 = tpu.memref_slice %arg7[%dma_wait3A, %dma_wait3A_203] : memref<288x128xf32, #tpu.memory_space<vmem>> -> memref<96x128xf32, #tpu.memory_space<vmem>>
    %dma_wait3A_205 = arith.constant 0 : i32
    %dma_wait3A_206 = tpu.memref_slice %arg6[%dma_wait3A_205] : memref<288xi32, #tpu.memory_space<vmem>> -> memref<96xi32, #tpu.memory_space<vmem>>
    %dma_wait3A_207 = arith.constant 0 : i32
    %dma_wait3A_208 = arith.constant 0 : i32
    %dma_wait3A_209 = tpu.memref_slice %arg2[%dma_wait3A_207, %dma_wait3A_208] : memref<4096x128xf32, #tpu.memory_space<hbm>> -> memref<4096x128xf32, #tpu.memory_space<hbm>>
    tpu.wait_indirect_dma semaphore(%arg8 : memref<!tpu.dma_semaphore, #tpu.memory_space<semaphore_mem>>) src(%dma_wait3A_209 : memref<4096x128xf32, #tpu.memory_space<hbm>>) dst(%dma_wait3A_204 : memref<96x128xf32, #tpu.memory_space<vmem>>)
    %dma_wait3A_210 = arith.constant 96 : i32
    %dma_wait3A_211 = arith.constant 0 : i32
    %dma_wait3A_212 = tpu.memref_slice %arg7[%dma_wait3A_210, %dma_wait3A_211] : memref<288x128xf32, #tpu.memory_space<vmem>> -> memref<96x128xf32, #tpu.memory_space<vmem>>
    %dma_wait3A_213 = arith.constant 96 : i32
    %dma_wait3A_214 = tpu.memref_slice %arg6[%dma_wait3A_213] : memref<288xi32, #tpu.memory_space<vmem>> -> memref<96xi32, #tpu.memory_space<vmem>>
    %dma_wait3A_215 = arith.constant 0 : i32
    %dma_wait3A_216 = arith.constant 0 : i32
    %dma_wait3A_217 = tpu.memref_slice %arg2[%dma_wait3A_215, %dma_wait3A_216] : memref<4096x128xf32, #tpu.memory_space<hbm>> -> memref<4096x128xf32, #tpu.memory_space<hbm>>
    tpu.wait_indirect_dma semaphore(%arg8 : memref<!tpu.dma_semaphore, #tpu.memory_space<semaphore_mem>>) src(%dma_wait3A_217 : memref<4096x128xf32, #tpu.memory_space<hbm>>) dst(%dma_wait3A_212 : memref<96x128xf32, #tpu.memory_space<vmem>>)
    %dma_wait3A_218 = arith.constant 192 : i32
    %dma_wait3A_219 = arith.constant 0 : i32
    %dma_wait3A_220 = tpu.memref_slice %arg7[%dma_wait3A_218, %dma_wait3A_219] : memref<288x128xf32, #tpu.memory_space<vmem>> -> memref<96x128xf32, #tpu.memory_space<vmem>>
    %dma_wait3A_221 = arith.constant 192 : i32
    %dma_wait3A_222 = tpu.memref_slice %arg6[%dma_wait3A_221] : memref<288xi32, #tpu.memory_space<vmem>> -> memref<96xi32, #tpu.memory_space<vmem>>
    %dma_wait3A_223 = arith.constant 0 : i32
    %dma_wait3A_224 = arith.constant 0 : i32
    %dma_wait3A_225 = tpu.memref_slice %arg2[%dma_wait3A_223, %dma_wait3A_224] : memref<4096x128xf32, #tpu.memory_space<hbm>> -> memref<4096x128xf32, #tpu.memory_space<hbm>>
    tpu.wait_indirect_dma semaphore(%arg8 : memref<!tpu.dma_semaphore, #tpu.memory_space<semaphore_mem>>) src(%dma_wait3A_225 : memref<4096x128xf32, #tpu.memory_space<hbm>>) dst(%dma_wait3A_220 : memref<96x128xf32, #tpu.memory_space<vmem>>)
    "tpu.region"() ({
      %run_scoped3A = tpu.sem_alloc : memref<!tpu.dma_semaphore, #tpu.memory_space<semaphore_mem>>
      %dma_start3A_226 = arith.constant 0 : i32
      %dma_start3A_227 = tpu.memref_slice %arg4[%mul3A_2, %dma_start3A_226] : memref<9216x128xf32, #tpu.memory_space<hbm>> -> memref<288x128xf32, #tpu.memory_space<hbm>>
      %dma_start3A_228 = arith.constant 0 : i32
      %dma_start3A_229 = tpu.memref_slice %arg4[%mul3A_2, %dma_start3A_228] : memref<9216x128xf32, #tpu.memory_space<hbm>> -> memref<288x128xf32, #tpu.memory_space<hbm>>
      tpu.enqueue_dma source(%arg7 : memref<288x128xf32, #tpu.memory_space<vmem>>) target(%dma_start3A_229 : memref<288x128xf32, #tpu.memory_space<hbm>>) target_semaphore(%run_scoped3A : memref<!tpu.dma_semaphore, #tpu.memory_space<semaphore_mem>>)
      %dma_wait3A_230 = arith.constant 0 : i32
      %dma_wait3A_231 = tpu.memref_slice %arg4[%mul3A_2, %dma_wait3A_230] : memref<9216x128xf32, #tpu.memory_space<hbm>> -> memref<288x128xf32, #tpu.memory_space<hbm>>
      %dma_wait3A_232 = arith.constant 0 : i32
      %dma_wait3A_233 = tpu.memref_slice %arg4[%mul3A_2, %dma_wait3A_232] : memref<9216x128xf32, #tpu.memory_space<hbm>> -> memref<288x128xf32, #tpu.memory_space<hbm>>
      tpu.wait_dma2 semaphore(%run_scoped3A : memref<!tpu.dma_semaphore, #tpu.memory_space<semaphore_mem>>) src(%arg7 : memref<288x128xf32, #tpu.memory_space<vmem>>) dst(%dma_wait3A_233 : memref<288x128xf32, #tpu.memory_space<hbm>>)
      tpu.yield
    }) : () -> ()
    return
  }
}

module attributes {stable_mosaic.version = 14 : i64} {
  func.func @_k1_body(%arg0: i32, %arg1: memref<1024x768xf32, #tpu.memory_space<vmem>>, %arg2: memref<768x64xf32, #tpu.memory_space<vmem>>, %arg3: memref<1x64xf32, #tpu.memory_space<vmem>>, %arg4: memref<64x8192xf32, #tpu.memory_space<vmem>>, %arg5: memref<1024xi32, #tpu.memory_space<vmem>>, %arg6: memref<1024x64xf32, #tpu.memory_space<vmem>>, %arg7: memref<1x8192xf32, #tpu.memory_space<vmem>>) attributes {dimension_semantics = [#tpu.dimension_semantics<arbitrary>], iteration_bounds = array<i64: 9>, scalar_prefetch = 0 : i64, scratch_operands = 1 : i64, tpu.core_type = #tpu.core_type<tc>, window_params = [{transform_indices = @transform_0, window_bounds = array<i64: 1024, 768>}, {pipeline_mode = #tpu.pipeline_mode<synchronous>, transform_indices = @transform_1, window_bounds = array<i64: 768, 64>}, {pipeline_mode = #tpu.pipeline_mode<synchronous>, transform_indices = @transform_2, window_bounds = array<i64: 1, 64>}, {pipeline_mode = #tpu.pipeline_mode<synchronous>, transform_indices = @transform_3, window_bounds = array<i64: 64, 8192>}, {transform_indices = @transform_4, window_bounds = array<i64: 1024>}, {transform_indices = @transform_5, window_bounds = array<i64: 1024, 64>}]} {
    %eq3A = arith.constant 0 : i32
    %eq3A_0 = arith.cmpi eq, %arg0, %eq3A : i32
    %convert_element_type3A = arith.extui %eq3A_0 : i1 to i32
    %cond3A = arith.constant 0 : i32
    %cond3A_1 = arith.cmpi ne, %convert_element_type3A, %cond3A : i32
    scf.if %cond3A_1 {
      %get3A_43 = arith.constant 0 : index
      %get3A_44 = arith.constant 0 : index
      %get3A_45 = vector.load %arg4[%get3A_43, %get3A_44] : memref<64x8192xf32, #tpu.memory_space<vmem>>, vector<64x8192xf32>
      %mul3A_46 = arith.mulf %get3A_45, %get3A_45 : vector<64x8192xf32>
      %reduce_sum3A_47 = arith.constant dense<0.000000e+00> : vector<8192xf32>
      %reduce_sum3A_48 = vector.multi_reduction <add>, %mul3A_46, %reduce_sum3A_47 [0] : vector<64x8192xf32> to vector<8192xf32>
      %broadcast_in_dim3A_49 = vector.shape_cast %reduce_sum3A_48 : vector<8192xf32> to vector<1x8192xf32>
      %swap3A_50 = arith.constant 0 : index
      %swap3A_51 = arith.constant 0 : index
      %swap3A_52 = vector.load %arg7[%swap3A_50, %swap3A_51] : memref<1x8192xf32, #tpu.memory_space<vmem>>, vector<1x8192xf32>
      tpu.vector_store %arg7[%swap3A_50, %swap3A_51], %broadcast_in_dim3A_49 {strides = array<i32>} : memref<1x8192xf32, #tpu.memory_space<vmem>>, vector<1x8192xf32>,
    } else {
    }
    %get3A = arith.constant 0 : index
    %get3A_2 = arith.constant 0 : index
    %get3A_3 = vector.load %arg1[%get3A, %get3A_2] : memref<1024x768xf32, #tpu.memory_space<vmem>>, vector<1024x768xf32>
    %get3A_4 = arith.constant 0 : index
    %get3A_5 = arith.constant 0 : index
    %get3A_6 = vector.load %arg2[%get3A_4, %get3A_5] : memref<768x64xf32, #tpu.memory_space<vmem>>, vector<768x64xf32>
    %dot_general3A = arith.constant dense<0.000000e+00> : vector<1024x64xf32>
    %dot_general3A_7 = tpu.matmul %get3A_3, %get3A_6, %dot_general3A {dimension_numbers = #tpu.dot_dimension_numbers<[1], [0], [0], [1], [0, 0, 1, 1], [], []>, transpose_lhs_hint = false} : vector<1024x768xf32>, vector<768x64xf32>, vector<1024x64xf32> -> vector<1024x64xf32>
    %get3A_8 = arith.constant 0 : index
    %get3A_9 = arith.constant 0 : index
    %get3A_10 = vector.load %arg3[%get3A_8, %get3A_9] : memref<1x64xf32, #tpu.memory_space<vmem>>, vector<1x64xf32>
    %add3A = vector.broadcast %get3A_10 : vector<1x64xf32> to vector<1024x64xf32>
    %add3A_11 = arith.addf %dot_general3A_7, %add3A : vector<1024x64xf32>
    %mul3A = arith.mulf %add3A_11, %add3A_11 : vector<1024x64xf32>
    %reduce_sum3A = arith.constant dense<0.000000e+00> : vector<1024xf32>
    %reduce_sum3A_12 = vector.multi_reduction <add>, %mul3A, %reduce_sum3A [1] : vector<1024x64xf32> to vector<1024xf32>
    %broadcast_in_dim3A = vector.shape_cast %reduce_sum3A_12 : vector<1024xf32> to vector<1024x1xf32>
    %mul3A_13 = arith.constant 2.000000e+00 : f32
    %mul3A_14 = vector.broadcast %mul3A_13 : f32 to vector<1024x64xf32>
    %mul3A_15 = arith.mulf %add3A_11, %mul3A_14 : vector<1024x64xf32>
    %get3A_16 = arith.constant 0 : index
    %get3A_17 = arith.constant 0 : index
    %get3A_18 = vector.load %arg4[%get3A_16, %get3A_17] : memref<64x8192xf32, #tpu.memory_space<vmem>>, vector<64x8192xf32>
    %get3A_19 = arith.constant 0 : index
    %get3A_20 = arith.constant 0 : index
    %get3A_21 = vector.load %arg7[%get3A_19, %get3A_20] : memref<1x8192xf32, #tpu.memory_space<vmem>>, vector<1x8192xf32>
    %slice3A = vector.extract_strided_slice %mul3A_15 {offsets = [0, 0], sizes = [512, 64], strides = [1, 1]} : vector<1024x64xf32> to vector<512x64xf32>
    %dot_general3A_22 = arith.constant dense<0.000000e+00> : vector<512x8192xf32>
    %dot_general3A_23 = tpu.matmul %slice3A, %get3A_18, %dot_general3A_22 {dimension_numbers = #tpu.dot_dimension_numbers<[1], [0], [0], [1], [0, 0, 1, 1], [], []>, transpose_lhs_hint = false} : vector<512x64xf32>, vector<64x8192xf32>, vector<512x8192xf32> -> vector<512x8192xf32>
    %slice3A_24 = vector.extract_strided_slice %mul3A_15 {offsets = [512, 0], sizes = [512, 64], strides = [1, 1]} : vector<1024x64xf32> to vector<512x64xf32>
    %dot_general3A_25 = arith.constant dense<0.000000e+00> : vector<512x8192xf32>
    %dot_general3A_26 = tpu.matmul %slice3A_24, %get3A_18, %dot_general3A_25 {dimension_numbers = #tpu.dot_dimension_numbers<[1], [0], [0], [1], [0, 0, 1, 1], [], []>, transpose_lhs_hint = false} : vector<512x64xf32>, vector<64x8192xf32>, vector<512x8192xf32> -> vector<512x8192xf32>
    %slice3A_27 = vector.extract_strided_slice %broadcast_in_dim3A {offsets = [0, 0], sizes = [512, 1], strides = [1, 1]} : vector<1024x1xf32> to vector<512x1xf32>
    %sub3A = vector.broadcast %slice3A_27 : vector<512x1xf32> to vector<512x8192xf32>
    %sub3A_28 = arith.subf %sub3A, %dot_general3A_23 : vector<512x8192xf32>
    %add3A_29 = vector.broadcast %get3A_21 : vector<1x8192xf32> to vector<512x8192xf32>
    %add3A_30 = arith.addf %sub3A_28, %add3A_29 : vector<512x8192xf32>
    %slice3A_31 = vector.extract_strided_slice %broadcast_in_dim3A {offsets = [512, 0], sizes = [512, 1], strides = [1, 1]} : vector<1024x1xf32> to vector<512x1xf32>
    %sub3A_32 = vector.broadcast %slice3A_31 : vector<512x1xf32> to vector<512x8192xf32>
    %sub3A_33 = arith.subf %sub3A_32, %dot_general3A_26 : vector<512x8192xf32>
    %add3A_34 = vector.broadcast %get3A_21 : vector<1x8192xf32> to vector<512x8192xf32>
    %add3A_35 = arith.addf %sub3A_33, %add3A_34 : vector<512x8192xf32>
    %argmin3A = tpu.reduce_index %add3A_30 {axis = 1 : i32, kind = #tpu.reduction_kind<arg_min>} : vector<512x8192xf32> -> vector<512xi32>
    %swap3A = arith.constant 0 : index
    %swap3A_36 = vector.load %arg5[%swap3A] : memref<1024xi32, #tpu.memory_space<vmem>>, vector<512xi32>
    tpu.vector_store %arg5[%swap3A], %argmin3A {strides = array<i32>} : memref<1024xi32, #tpu.memory_space<vmem>>, vector<512xi32>,
    %argmin3A_37 = tpu.reduce_index %add3A_35 {axis = 1 : i32, kind = #tpu.reduction_kind<arg_min>} : vector<512x8192xf32> -> vector<512xi32>
    %swap3A_38 = arith.constant 512 : index
    %swap3A_39 = vector.load %arg5[%swap3A_38] : memref<1024xi32, #tpu.memory_space<vmem>>, vector<512xi32>
    tpu.vector_store %arg5[%swap3A_38], %argmin3A_37 {strides = array<i32>} : memref<1024xi32, #tpu.memory_space<vmem>>, vector<512xi32>,
    %swap3A_40 = arith.constant 0 : index
    %swap3A_41 = arith.constant 0 : index
    %swap3A_42 = vector.load %arg6[%swap3A_40, %swap3A_41] : memref<1024x64xf32, #tpu.memory_space<vmem>>, vector<1024x64xf32>
    tpu.vector_store %arg6[%swap3A_40, %swap3A_41], %add3A_11 {strides = array<i32>} : memref<1024x64xf32, #tpu.memory_space<vmem>>, vector<1024x64xf32>,
    return
  }
  func.func @transform_0(%arg0: i32) -> (i32, i32) {
    %c0_i32 = arith.constant 0 : i32
    %c0_i32_0 = arith.constant 0 : i32
    return %arg0, %c0_i32 : i32, i32
  }
  func.func @transform_1(%arg0: i32) -> (i32, i32) {
    %c0_i32 = arith.constant 0 : i32
    %c0_i32_0 = arith.constant 0 : i32
    %c0_i32_1 = arith.constant 0 : i32
    return %c0_i32, %c0_i32_0 : i32, i32
  }
  func.func @transform_2(%arg0: i32) -> (i32, i32) {
    %c0_i32 = arith.constant 0 : i32
    %c0_i32_0 = arith.constant 0 : i32
    %c0_i32_1 = arith.constant 0 : i32
    return %c0_i32, %c0_i32_0 : i32, i32
  }
  func.func @transform_3(%arg0: i32) -> (i32, i32) {
    %c0_i32 = arith.constant 0 : i32
    %c0_i32_0 = arith.constant 0 : i32
    %c0_i32_1 = arith.constant 0 : i32
    return %c0_i32, %c0_i32_0 : i32, i32
  }
  func.func @transform_4(%arg0: i32) -> i32 {
    %c0_i32 = arith.constant 0 : i32
    return %arg0 : i32
  }
  func.func @transform_5(%arg0: i32) -> (i32, i32) {
    %c0_i32 = arith.constant 0 : i32
    %c0_i32_0 = arith.constant 0 : i32
    return %arg0, %c0_i32 : i32, i32
  }
}

module attributes {stable_mosaic.version = 14 : i64} {
  func.func @_k3_body(%arg0: i32, %arg1: memref<1024x128xf32, #tpu.memory_space<vmem>>, %arg2: memref<1024xi32, #tpu.memory_space<vmem>>, %arg3: memref<64x768xf32, #tpu.memory_space<vmem>>, %arg4: memref<1x768xf32, #tpu.memory_space<vmem>>, %arg5: memref<1024x64xf32, #tpu.memory_space<vmem>>, %arg6: memref<1024x768xf32, #tpu.memory_space<vmem>>, %arg7: memref<1x1xf32, #tpu.memory_space<vmem>>) attributes {dimension_semantics = [#tpu.dimension_semantics<arbitrary>], iteration_bounds = array<i64: 9>, scalar_prefetch = 0 : i64, scratch_operands = 0 : i64, tpu.core_type = #tpu.core_type<tc>, window_params = [{transform_indices = @transform_0, window_bounds = array<i64: 1024, 128>}, {transform_indices = @transform_1, window_bounds = array<i64: 1024>}, {pipeline_mode = #tpu.pipeline_mode<synchronous>, transform_indices = @transform_2, window_bounds = array<i64: 64, 768>}, {pipeline_mode = #tpu.pipeline_mode<synchronous>, transform_indices = @transform_3, window_bounds = array<i64: 1, 768>}, {transform_indices = @transform_4, window_bounds = array<i64: 1024, 64>}, {transform_indices = @transform_5, window_bounds = array<i64: 1024, 768>}, {pipeline_mode = #tpu.pipeline_mode<synchronous>, transform_indices = @transform_6, window_bounds = array<i64: 1, 1>}]} {
    %get3A = arith.constant 0 : index
    %get3A_0 = vector.load %arg2[%get3A] : memref<1024xi32, #tpu.memory_space<vmem>>, vector<1024xi32>
    %and3A = arith.constant 1 : i32
    %and3A_1 = vector.broadcast %and3A : i32 to vector<1024xi32>
    %and3A_2 = arith.andi %get3A_0, %and3A_1 : vector<1024xi32>
    %broadcast_in_dim3A = vector.shape_cast %and3A_2 : vector<1024xi32> to vector<1024x1xi32>
    %eq3A = arith.constant 1 : i32
    %eq3A_3 = vector.broadcast %eq3A : i32 to vector<1024x1xi32>
    %eq3A_4 = arith.cmpi eq, %broadcast_in_dim3A, %eq3A_3 : vector<1024x1xi32>
    %get3A_5 = arith.constant 0 : index
    %get3A_6 = arith.constant 0 : index
    %get3A_7 = vector.load %arg1[%get3A_5, %get3A_6] : memref<1024x128xf32, #tpu.memory_space<vmem>>, vector<1024x128xf32>
    %slice3A = vector.extract_strided_slice %get3A_7 {offsets = [0, 64], sizes = [1024, 64], strides = [1, 1]} : vector<1024x128xf32> to vector<1024x64xf32>
    %slice3A_8 = vector.extract_strided_slice %get3A_7 {offsets = [0, 0], sizes = [1024, 64], strides = [1, 1]} : vector<1024x128xf32> to vector<1024x64xf32>
    %broadcast_in_dim3A_9 = vector.shape_cast %eq3A_4 : vector<1024x1xi1> to vector<1024x1xi1>
    %broadcast_in_dim3A_10 = vector.broadcast %broadcast_in_dim3A_9 : vector<1024x1xi1> to vector<1024x64xi1>
    %select_n3A = arith.select %broadcast_in_dim3A_10, %slice3A, %slice3A_8 : vector<1024x64xi1>, vector<1024x64xf32>
    %get3A_11 = arith.constant 0 : index
    %get3A_12 = arith.constant 0 : index
    %get3A_13 = vector.load %arg3[%get3A_11, %get3A_12] : memref<64x768xf32, #tpu.memory_space<vmem>>, vector<64x768xf32>
    %dot_general3A = arith.constant dense<0.000000e+00> : vector<1024x768xf32>
    %dot_general3A_14 = tpu.matmul %select_n3A, %get3A_13, %dot_general3A {dimension_numbers = #tpu.dot_dimension_numbers<[1], [0], [0], [1], [0, 0, 1, 1], [], []>, transpose_lhs_hint = false} : vector<1024x64xf32>, vector<64x768xf32>, vector<1024x768xf32> -> vector<1024x768xf32>
    %get3A_15 = arith.constant 0 : index
    %get3A_16 = arith.constant 0 : index
    %get3A_17 = vector.load %arg4[%get3A_15, %get3A_16] : memref<1x768xf32, #tpu.memory_space<vmem>>, vector<1x768xf32>
    %add3A = vector.broadcast %get3A_17 : vector<1x768xf32> to vector<1024x768xf32>
    %add3A_18 = arith.addf %dot_general3A_14, %add3A : vector<1024x768xf32>
    %swap3A = arith.constant 0 : index
    %swap3A_19 = arith.constant 0 : index
    %swap3A_20 = vector.load %arg6[%swap3A, %swap3A_19] : memref<1024x768xf32, #tpu.memory_space<vmem>>, vector<1024x768xf32>
    tpu.vector_store %arg6[%swap3A, %swap3A_19], %add3A_18 {strides = array<i32>} : memref<1024x768xf32, #tpu.memory_space<vmem>>, vector<1024x768xf32>,
    %get3A_21 = arith.constant 0 : index
    %get3A_22 = arith.constant 0 : index
    %get3A_23 = vector.load %arg5[%get3A_21, %get3A_22] : memref<1024x64xf32, #tpu.memory_space<vmem>>, vector<1024x64xf32>
    %sub3A = arith.subf %select_n3A, %get3A_23 : vector<1024x64xf32>
    %mul3A = arith.mulf %sub3A, %sub3A : vector<1024x64xf32>
    %reduce_sum3A = vector.shape_cast %mul3A : vector<1024x64xf32> to vector<1x1024x64xf32>
    %reduce_sum3A_24 = arith.constant dense<0.000000e+00> : vector<1xf32>
    %reduce_sum3A_25 = vector.multi_reduction <add>, %reduce_sum3A, %reduce_sum3A_24 [1, 2] : vector<1x1024x64xf32> to vector<1xf32>
    %reduce_sum3A_26 = vector.shape_cast %reduce_sum3A_25 : vector<1xf32> to vector<1x1x1xf32>
    %reduce_sum3A_27 = vector.extract %reduce_sum3A_26[0, 0, 0] : f32 from vector<1x1x1xf32>
    %reshape3A = vector.broadcast %reduce_sum3A_27 : f32 to vector<1x1xf32>
    %eq3A_28 = arith.constant 0 : i32
    %eq3A_29 = arith.cmpi eq, %arg0, %eq3A_28 : i32
    %convert_element_type3A = arith.extui %eq3A_29 : i1 to i32
    %cond3A = arith.constant 0 : i32
    %cond3A_30 = arith.cmpi ne, %convert_element_type3A, %cond3A : i32
    scf.if %cond3A_30 {
      %broadcast_in_dim3A_44 = arith.constant 0.000000e+00 : f32
      %broadcast_in_dim3A_45 = vector.broadcast %broadcast_in_dim3A_44 : f32 to vector<1x1xf32>
      %swap3A_46 = arith.constant 0 : index
      %swap3A_47 = arith.constant 0 : index
      %swap3A_48 = vector.load %arg7[%swap3A_46, %swap3A_47] : memref<1x1xf32, #tpu.memory_space<vmem>>, vector<1x1xf32>
      tpu.vector_store %arg7[%swap3A_46, %swap3A_47], %broadcast_in_dim3A_45 {strides = array<i32>} : memref<1x1xf32, #tpu.memory_space<vmem>>, vector<1x1xf32>,
    } else {
    }
    %get3A_31 = arith.constant 0 : index
    %get3A_32 = arith.constant 0 : index
    %get3A_33 = vector.load %arg7[%get3A_31, %get3A_32] : memref<1x1xf32, #tpu.memory_space<vmem>>, vector<1x1xf32>
    %add3A_34 = arith.addf %get3A_33, %reshape3A : vector<1x1xf32>
    %lt3A = arith.constant 8 : i32
    %lt3A_35 = arith.cmpi slt, %arg0, %lt3A : i32
    %convert_element_type3A_36 = arith.extui %lt3A_35 : i1 to i32
    %cond3A_37 = arith.constant 0 : i32
    %cond3A_38 = arith.cmpi ne, %convert_element_type3A_36, %cond3A_37 : i32
    scf.if %cond3A_38 {
      %swap3A_44 = arith.constant 0 : index
      %swap3A_45 = arith.constant 0 : index
      %swap3A_46 = vector.load %arg7[%swap3A_44, %swap3A_45] : memref<1x1xf32, #tpu.memory_space<vmem>>, vector<1x1xf32>
      tpu.vector_store %arg7[%swap3A_44, %swap3A_45], %add3A_34 {strides = array<i32>} : memref<1x1xf32, #tpu.memory_space<vmem>>, vector<1x1xf32>,
    } else {
    }
    %eq3A_39 = arith.constant 8 : i32
    %eq3A_40 = arith.cmpi eq, %arg0, %eq3A_39 : i32
    %convert_element_type3A_41 = arith.extui %eq3A_40 : i1 to i32
    %cond3A_42 = arith.constant 0 : i32
    %cond3A_43 = arith.cmpi ne, %convert_element_type3A_41, %cond3A_42 : i32
    scf.if %cond3A_43 {
      %mul3A_44 = arith.constant 2.11927636E-6 : f32
      %mul3A_45 = vector.broadcast %mul3A_44 : f32 to vector<1x1xf32>
      %mul3A_46 = arith.mulf %add3A_34, %mul3A_45 : vector<1x1xf32>
      %swap3A_47 = arith.constant 0 : index
      %swap3A_48 = arith.constant 0 : index
      %swap3A_49 = vector.load %arg7[%swap3A_47, %swap3A_48] : memref<1x1xf32, #tpu.memory_space<vmem>>, vector<1x1xf32>
      tpu.vector_store %arg7[%swap3A_47, %swap3A_48], %mul3A_46 {strides = array<i32>} : memref<1x1xf32, #tpu.memory_space<vmem>>, vector<1x1xf32>,
    } else {
    }
    return
  }
  func.func @transform_0(%arg0: i32) -> (i32, i32) {
    %c0_i32 = arith.constant 0 : i32
    %c0_i32_0 = arith.constant 0 : i32
    return %arg0, %c0_i32 : i32, i32
  }
  func.func @transform_1(%arg0: i32) -> i32 {
    %c0_i32 = arith.constant 0 : i32
    return %arg0 : i32
  }
  func.func @transform_2(%arg0: i32) -> (i32, i32) {
    %c0_i32 = arith.constant 0 : i32
    %c0_i32_0 = arith.constant 0 : i32
    %c0_i32_1 = arith.constant 0 : i32
    return %c0_i32, %c0_i32_0 : i32, i32
  }
  func.func @transform_3(%arg0: i32) -> (i32, i32) {
    %c0_i32 = arith.constant 0 : i32
    %c0_i32_0 = arith.constant 0 : i32
    %c0_i32_1 = arith.constant 0 : i32
    return %c0_i32, %c0_i32_0 : i32, i32
  }
  func.func @transform_4(%arg0: i32) -> (i32, i32) {
    %c0_i32 = arith.constant 0 : i32
    %c0_i32_0 = arith.constant 0 : i32
    return %arg0, %c0_i32 : i32, i32
  }
  func.func @transform_5(%arg0: i32) -> (i32, i32) {
    %c0_i32 = arith.constant 0 : i32
    %c0_i32_0 = arith.constant 0 : i32
    return %arg0, %c0_i32 : i32, i32
  }
  func.func @transform_6(%arg0: i32) -> (i32, i32) {
    %c0_i32 = arith.constant 0 : i32
    %c0_i32_0 = arith.constant 0 : i32
    %c0_i32_1 = arith.constant 0 : i32
    return %c0_i32, %c0_i32_0 : i32, i32
  }
}

</mosaic_0001>

<sc_bundles>
// kernel: kernel.5.cloned.1.call-start
scs
__scs_entry_jumppad:
0x0: {  	(pc) =	sbr.rel $0x88, $3  }
0x1: {  	(tag) =	ssettag $0x0;
	lr =	simm.s32 $0x1  }
0x2: {  	[smem:$0x3F9B] =	sst lr;
	_ =	strace $0xD0000000  }
0x3: {  	_ = 	snop  }
0x4: {  	_ = 	snop  }
0x5: {  	_ = 	snop  }
0x6: {  	_ = 	snop  }
0x7: {  	_ = 	snop  }
__scs_overlays_trampoline_lowered:
0x8: {  	[smem:$0x3FAA] =	sst s0  }
0x9: {  	[smem:$0x3FAB] =	sst s1  }
0xa: {  	[smem:$0x3FAC] =	sst s2  }
0xb: {  	[smem:$0x3FAD] =	sst s3  }
0xc: {  	[smem:$0x3FAE] =	sst s4  }
0xd: {  	[smem:$0x3FAF] =	sst s5  }
0xe: {  	[smem:$0x3FB0] =	sst s6  }
0xf: {  	[smem:$0x3FB1] =	sst s7  }
0x10: {  	[smem:$0x3FB2] =	sst s8  }
0x11: {  	[smem:$0x3FB3] =	sst s9;
	s0 =	simm.s32 @!p0 $0x0  }
0x12: {  	s1 =	sld [smem:$0x3F99];
	s0 =	simm.s32 @p0 $0x1  }
0x13: {  	[smem:$0x3FB4] =	sst s0;
	s0 =	simm.s32 @!p1 $0x0  }
0x14: {  	s2 =	sld [smem:$0x3F98];
	s0 =	simm.s32 @p1 $0x1  }
0x15: {  	[smem:$0x3FB5] =	sst s0;
	s0 =	simm.s32 @!p2 $0x0  }
0x16: {  	s3 =	sld [smem:$0x3FDB];
	s0 =	simm.s32 @p2 $0x1  }
0x17: {  	s4 =	simm.s32 $0x1BF5;
	[smem:$0x3FB7] =	sst s0  }
0x18: {  	s0 =	sld [smem:$0x3F9A];
	_ =	swait.ge [sflag:s4], $0x0  }
0x19: {  	s7 =	sld [smem:$0x3F9B]  }
0x1a: {  	s8 =	sadd.s32 $0xFFFFE003, lr  }
0x1b: {  	s9 =	sadd.s32 $0xFFFFFEF7, lr;
	s5 =	simm.s32 $0xFFFFFFFF;
	p2 =	slt.u32 s8, $0xFFFFF086  }
0x1c: {  	p1 =	slt.u32 s9, $0xF7A;
	s5 =	simm.s32 @!p2 $0x0  }
0x1d: {  	s5 =	simm.s32 @p1 $0x1;
	p0 =	seq.s32 s7, s2  }
0x1e: {  	s7 =	smul.u32 @!p0 $0xF7A, s2;
	p2 =	seq.s32 @!p0 s5, $0x0  }
0x1f: {  	s9 =	smul.u32 $0xF7A, s1;
	s8 =	simm.s32 @!p0 $0x1BF5;
	p2 =	por !p2, p0  }
0x20: {  	[sflag:s8] =	ssyncset.s32 @!p0 $0xFFFFF086;
	s6 =	sadd.s32 @!p0 s3, s7;
	s7 =	simm.s32 @!p0 $0x108  }
0x21: {  	s3 =	sadd.s32 s3, s9;
	s6 =	sadd.s32 @!p0 $0x88, s6;
	s7 =	simm.s32 @p2 $0x1082  }
0x22: {  	[simem:s7], [sflag:s8] =	dma.local @!p0 [hbm:s6], $0xF7A  }
0x23: {  	s9 =	sor.u32 $0xD0000000, s2;
	s6 =	simm.s32 $0x108;
	_ =	swait.ge @!p0 [sflag:s8], $0x0  }
0x24: {  	s3 =	sadd.s32 $0x88, s3;
	s6 =	simm.s32 @!p1 $0x1082;
	[sflag:s4] =	ssyncset.s32 $0xFFFFF086  }
0x25: {  	[simem:s6], [sflag:s4] =	dma.local [hbm:s3], $0xF7A  }
0x26: {  	[smem:$0x3F9B] =	sst s1;
	(tag) =	ssettag s2;
	_ =	strace s9  }
0x27: {  	s1 =	sld [smem:$0x3FAB]  }
0x28: {  	s2 =	sld [smem:$0x3FAC]  }
0x29: {  	s4 =	sld [smem:$0x3FAE]  }
0x2a: {  	p0 =	seq.s32 s5, $0x0;
	s5 =	sld [smem:$0x3FAF]  }
0x2b: {  	s6 =	sld [smem:$0x3FB0]  }
0x2c: {  	s7 =	sld [smem:$0x3FB1]  }
0x2d: {  	s3 =	simm.s32 $0x108;
	s8 =	sld [smem:$0x3FB2]  }
0x2e: {  	s3 =	simm.s32 @!p0 $0x1082;
	s9 =	sld [smem:$0x3FB3]  }
0x2f: {  	lr =	sadd.s32 s0, s3;
	s0 =	sld [smem:$0x3FAA]  }
0x30: {  	s3 =	sld [smem:$0x3FAD]  }
0x31: {  	[smem:$0x3FB6] =	sst s10  }
0x32: {  	s10 =	sld [smem:$0x3FB4];
	_ =	sdelay $0x3  }
0x33: {  	p0 =	seq.s32 s10, $0x1;
	s10 =	sld [smem:$0x3FB6];
	_ =	sdelay $0x3  }
0x34: {  	[smem:$0x3FB6] =	sst s10  }
0x35: {  	s10 =	sld [smem:$0x3FB5];
	_ =	sdelay $0x3  }
0x36: {  	p1 =	seq.s32 s10, $0x1;
	s10 =	sld [smem:$0x3FB6];
	_ =	sdelay $0x3  }
0x37: {  	[smem:$0x3FB6] =	sst s10  }
0x38: {  	s10 =	sld [smem:$0x3FB7]  }
0x39: {  	_ = 	snop;
	(pc) =	sbr.ind lr, $3  }
0x3a: {  	_ = 	snop  }
0x3b: {  	_ = 	snop  }
0x3c: {  	p2 =	seq.s32 s10, $0x1;
	s10 =	sld [smem:$0x3FB6]  }
0x3d: {  	_ =	shalt  }
0x3e: {  	_ =	shalt  }
0x3f: {  	_ =	shalt  }
0x40: {  	_ =	shalt  }
0x41: {  	_ =	shalt  }
0x42: {  	_ =	shalt  }
0x43: {  	_ =	shalt  }
0x44: {  	_ =	shalt  }
0x45: {  	_ =	shalt  }
0x46: {  	_ =	shalt  }
0x47: {  	_ =	shalt  }
0x48: {  	_ =	shalt  }
0x49: {  	_ =	shalt  }
0x4a: {  	_ =	shalt  }
0x4b: {  	_ =	shalt  }
0x4c: {  	_ =	shalt  }
0x4d: {  	_ =	shalt  }
0x4e: {  	_ =	shalt  }
0x4f: {  	_ =	shalt  }
0x50: {  	_ =	shalt  }
0x51: {  	_ =	shalt  }
0x52: {  	_ =	shalt  }
0x53: {  	_ =	shalt  }
0x54: {  	_ =	shalt  }
0x55: {  	_ =	shalt  }
0x56: {  	_ =	shalt  }
0x57: {  	_ =	shalt  }
0x58: {  	_ =	shalt  }
0x59: {  	_ =	shalt  }
0x5a: {  	_ =	shalt  }
0x5b: {  	_ =	shalt  }
0x5c: {  	_ =	shalt  }
0x5d: {  	_ =	shalt  }
0x5e: {  	_ =	shalt  }
0x5f: {  	_ =	shalt  }
0x60: {  	_ =	shalt  }
0x61: {  	_ =	shalt  }
0x62: {  	_ =	shalt  }
0x63: {  	_ =	shalt  }
0x64: {  	_ =	shalt  }
0x65: {  	_ =	shalt  }
0x66: {  	_ =	shalt  }
0x67: {  	_ =	shalt  }
0x68: {  	_ =	shalt  }
0x69: {  	_ =	shalt  }
0x6a: {  	_ =	shalt  }
0x6b: {  	_ =	shalt  }
0x6c: {  	_ =	shalt  }
0x6d: {  	_ =	shalt  }
0x6e: {  	_ =	shalt  }
0x6f: {  	_ =	shalt  }
0x70: {  	_ =	shalt  }
0x71: {  	_ =	shalt  }
0x72: {  	_ =	shalt  }
0x73: {  	_ =	shalt  }
0x74: {  	_ =	shalt  }
0x75: {  	_ =	shalt  }
0x76: {  	_ =	shalt  }
0x77: {  	_ =	shalt  }
0x78: {  	_ =	shalt  }
0x79: {  	_ =	shalt  }
0x7a: {  	_ =	shalt  }
0x7b: {  	_ =	shalt  }
0x7c: {  	_ =	shalt  }
0x7d: {  	_ =	shalt  }
0x7e: {  	_ =	shalt  }
0x7f: {  	_ =	shalt  }
0x80: {  	_ =	shalt  }
0x81: {  	_ =	shalt  }
0x82: {  	_ =	shalt  }
0x83: {  	_ =	shalt  }
0x84: {  	_ =	shalt  }
0x85: {  	_ =	shalt  }
0x86: {  	_ =	shalt  }
0x87: {  	_ =	shalt  }
.Lfunc_end0:
.L_simem_size_0:
called_computation_lowered:
.L_overlay_start_0:
0x88: {  	s2 =	sld [smem:$0x3FD9]  }
0x89: {  	s3 =	sld [smem:$0x3FFE];
	_ =	sdelay $0x1  }
0x8a: {  	s1 =	srdreg.scid  }
0x8b: {  	s0 =	sand.u32 $0x1, s1  }
0x8c: {  	s14 =	sshll.u32 s0, $0xA;
	s2 =	sadd.s32 s3, s2  }
0x8d: {  	s2 =	sadd.s32 s2, s14  }
0x8e: {  	[smem:$0x3FC2] =	sst s2  }
0x8f: {  	_ = 	snop  }
0x90: {  	s2 =	sld [smem:$0x3FD0];
	_ =	sdelay $0x2  }
0x91: {  	s15 =	simm.s32 $0xA;
	s4 =	simm.s32 $0x10  }
0x92: {  	[smem:s4], [sflag:s15] =	dma.local [hbm:s2], $0x1  }
0x93: {  	_ =	swait.eq [sflag:s15], $0x1  }
0x94: {  	[sflag:s15] =	ssyncset.done $0x0  }
0x95: {  	[sflag:s15] =	ssyncadd.s32 $0xFFFFFFFF  }
0x96: {  	s16 =	sld [smem:$0x10];
	(tm) =	ssettm $0x1  }
0x97: {  	s17 =	sld [smem:$0x3FFB];
	_ =	sdelay $0x3  }
0x98: {  	_ =	strace s17  }
0x99: {  	s3 =	sld [smem:$0x3FFC];
	_ =	sdelay $0x3  }
0x9a: {  	_ =	strace s3  }
0x9b: {  	s3 =	sld [smem:$0x3FFD];
	_ =	sdelay $0x3  }
0x9c: {  	_ =	strace s3  }
0x9d: {  	_ =	strace $0x8FFFFFFF  }
0x9e: {  	s18 =	sld [smem:$0x3FDB];
	_ =	sdelay $0x1  }
0x9f: {  	s19 =	simm.s32 $_scs_section_size  }
0xa0: {  	s5 =	simm.s32 $_size__tile_overlayer_lowered;
	s6 =	simm.s32 $_tile_overlayer_lowered  }
0xa1: {  	s22 =	simm.s32 $0x1BFF;
	s21 =	sshll.u32 s6, $0x1;
	s3 =	sadd.s32 s19, s18  }
0xa2: {  	s7 =	simm.s32 $0x0;
	s20 =	sshll.u32 s5, $0x1;
	s5 =	sadd.s32 s21, s3  }
0xa3: {  	[timem:s7], [sflag:s22] =	dma.local [hbm:s5], s20  }
0xa4: {  	_ =	swait.ge [sflag:s22], s20  }
0xa5: {  	s4 =	ssub.s32 $0x0, s20;
	[sflag:s22] =	ssyncset.done $0x0  }
0xa6: {  	[sflag:s22] =	ssyncadd.s32 s4;
	_ =	sdelay $0x1  }
0xa7: {  	s23 =	simm.s32 $0x1B8B  }
0xa8: {  	_ =	swait.ge [sflag:s23], $0x1  }
0xa9: {  	[sflag:s23] =	ssyncset.done $0x0  }
0xaa: {  	s25 =	simm.s32 $0x1B8E;
	s24 =	sld [smem:$0x3FFE];
	[sflag:s23] =	ssyncadd.s32 $0xFFFFFFFF  }
0xab: {  	s26 =	simm.s32 $execute0_lowered;
	[smem:$0x3FD2] =	sst s25  }
0xac: {  	s5 =	sshll.u32 s26, $0x1;
	_ =	strace $0x80000046;
	[dreg:$0x1] =	wrdreg $0xFFFFFFFF  }
0xad: {  	s28 =	simm.s32 $_size_execute0_lowered;
	s3 =	sadd.s32 s3, s5;
	[dreg:$0x0] =	wrdreg $0x0  }
0xae: {  	s5 =	sshll.u32 s28, $0x1;
	[dreg:$0x2] =	wrdreg s3  }
0xaf: {  	[dreg:$0x3] =	wrdreg s5  }
0xb0: {  	[dreg:$0x4] =	wrdreg $0xC0  }
0xb1: {  	_ =	task [dreg:s7], $0x5FFFF  }
0xb2: {  	[dreg:$0x1] =	wrdreg $0xFFFFFFFF  }
0xb3: {  	[dreg:$0x0] =	wrdreg $0x60  }
0xb4: {  	[dreg:$0x2] =	wrdreg s24  }
0xb5: {  	[dreg:$0x3] =	wrdreg s16  }
0xb6: {  	[dreg:$0x4] =	wrdreg $0x9  }
0xb7: {  	_ =	task.clear_ibuf [dreg:s7], $0x5FFFF;
	_ =	strace $0x90000046  }
0xb8: {  	s29 =	simm.s32 $0x9;
	_ =	strace $0x80000048  }
0xb9: {  	_ =	swait.ge [sflag:s29], $0x1  }
0xba: {  	[sflag:s29] =	ssyncadd.s32 $0xFFFFFFFF  }
0xbb: {  	_ =	strace $0x90000048  }
0xbc: {  	_ =	sfence  }
0xbd: {  	s30 =	sld [smem:$0x0];
	_ =	sdelay $0x2  }
0xbe: {  	s31 =	sshll.u32 s1, $0xD;
	s1 =	sshrl.u32 s1, $0x2  }
0xbf: {  	s3 =	sand.u32 $0x4000, s31;
	s1 =	sadd.s32 s1, s30  }
0xc0: {  	s0 =	sor.u32 s3, s0;
	s1 =	sshll.u32 s1, $0x11  }
0xc1: {  	s0 =	sor.u32 s1, s0  }
0xc2: {  	s0 =	sadd.s32 $0x8F2B, s0  }
0xc3: {  	[sflag:s0] =	ssyncadd.remote.s32 $0x1  }
0xc4: {  	_ =	sfence.sel $0xFFFF  }
0xc5: {  	[dreg:$0x0] =	wrdreg $0xFFFFFFFF;
	(pc) =	sbr.abs _section_cstart, $3  }
0xc6: {  	[dreg:$0x1] =	wrdreg $0xFFFFFFFF  }
0xc7: {  	_ =	task.clear_ibuf [dreg:s7], $0x2FFFF;
	_ =	strace $0x9FFFFFFF  }
0xc8: {  	(tm) =	ssettm $0x7FFFFFFF  }
0xc9: {  	_ =	shalt  }
tec
execute0_lowered:
.L_overlay_start_1:
0x0: {  	(tag) =	ssettag $0x1  }
0x1: {  	s1 =	srdreg.scid;
	s0 =	stileid.u32  }
0x2: {  	s7 =	sand.u32 $0x1, s1;
	s31 =	sshll.u32 s0, $0x1  }
0x3: {  	s6 =	rddreg [dreg:$0x0];
	s8 =	sor.u32 s7, s31  }
0x4: {  	s5 =	rddreg [dreg:$0x1];
	s3 =	smul.u32 $0x24, s8  }
0x5: {  	s2 =	simm.s32 $0x0;
	s1 =	rddreg [dreg:$0x2]  }
0x6: {  	[smem:$0x7FF] =	sst s2;
	s3 =	sadd.s32 s3, s6  }
0x7: {  	_ =	strace $0x80000047;
	s4 =	sadd.s32 $0x11600, s3;
	s3 =	simm.s32 $0x2  }
0x8: {  	[tilespmem:s2], [sflag:$0x2] =	stream.linear.gather [hbm4b:s4+s2], $0x120, $0x38;
	[tilespmem:$0x9300] =	vst v63  }
0x9: {  	_ =	swait.ge [sflag:s3], $0x120  }
0xa: {  	[sflag:s3] =	ssyncset.done $0x0  }
0xb: {  	[sflag:s3] =	ssyncadd.s32 $0xFFFFFEE0  }
0xc: {  	v0 =	vld [tilespmem:$0x110]  }
0xd: {  	v1 =	vld [tilespmem:$0xB0]  }
0xe: {  	v2 =	vld [tilespmem:$0x100]  }
0xf: {  	v3 =	vld [tilespmem:$0xE0]  }
0x10: {  	v4 =	vld [tilespmem:$0xD0]  }
0x11: {  	v5 =	vld [tilespmem:$0xC0];
	v0 =	vshra.s32 v0, $0x1  }
0x12: {  	v6 =	vld [tilespmem:$0x30];
	v1 =	vshra.s32 v1, $0x1;
	[tilespmem:$0x290] =	vst v0  }
0x13: {  	v48 =	vld [tilespmem:$0x90];
	v47 =	vshra.s32 v2, $0x1;
	[tilespmem:$0x230] =	vst v1  }
0x14: {  	v52 =	vld [tilespmem:$0x50];
	v3 =	vshra.s32 v3, $0x1;
	[tilespmem:$0x280] =	vst v47  }
0x15: {  	v55 =	vld [tilespmem:$0x20];
	v4 =	vshra.s32 v4, $0x1;
	[tilespmem:$0x260] =	vst v3  }
0x16: {  	v56 =	vld [tilespmem:$0x10];
	v5 =	vshra.s32 v5, $0x1;
	[tilespmem:$0x250] =	vst v4  }
0x17: {  	v58 =	vld [tilespmem:$0x70];
	v51 =	vshra.s32 v6, $0x1;
	[tilespmem:$0x240] =	vst v5  }
0x18: {  	v59 =	vld [tilespmem:$0x0];
	v2 =	vshra.s32 v48, $0x1;
	[tilespmem:$0x1B0] =	vst v51  }
0x19: {  	v46 =	vld [tilespmem:$0xA0];
	v57 =	vshra.s32 v52, $0x1;
	[tilespmem:$0x210] =	vst v2  }
0x1a: {  	s7 =	ssub.s32 $0x2, s7;
	v49 =	vld [tilespmem:$0x80];
	v60 =	vshra.s32 v55, $0x1;
	[tilespmem:$0x1D0] =	vst v57  }
0x1b: {  	s9 =	sshrl.u32 s7, $0x1;
	v50 =	vld [tilespmem:$0x60];
	v61 =	vshra.s32 v56, $0x1;
	[tilespmem:$0x1A0] =	vst v60  }
0x1c: {  	s7 =	ssub.s32 s7, s9;
	v53 =	vld [tilespmem:$0x40];
	v62 =	vshra.s32 v58, $0x1;
	[tilespmem:$0x190] =	vst v61  }
0x1d: {  	s15 =	smax.u32 s7, $0x1;
	v54 =	vld [tilespmem:$0xF0];
	v63 =	vshra.s32 v59, $0x1;
	[tilespmem:$0x1F0] =	vst v62  }
0x1e: {  	p0 =	sne.s32 s15, $0x1;
	v0 =	vshra.s32 v46, $0x1;
	[tilespmem:$0x180] =	vst v63  }
.Ltmp0:
0x1f: {  	v1 =	vshra.s32 v49, $0x1;
	[tilespmem:$0x220] =	vst v0;
	(pc) =	sbr.rel @!p0 .LBB2_2-.Ltmp0, $4  }
0x20: {  	s11 =	simm.s32 $0x1E0;
	s12 =	simm.s32 $0x3300;
	s8 =	smul.u32 $0x1200, s8;
	v3 =	vshra.s32 v50, $0x1;
	[tilespmem:$0x200] =	vst v1  }
0x21: {  	s13 =	simm.s32 $0x240;
	s14 =	simm.s32 $0x6300;
	s10 =	simm.s32 $0x1;
	v4 =	vshra.s32 v53, $0x1;
	[tilespmem:$0x1E0] =	vst v3  }
0x22: {  	s9 =	simm.s32 $0x180;
	s6 =	sadd.s32 $0x1600, s6;
	s5 =	sadd.s32 s5, s8;
	[tilespmem:$0x1C0] =	vst v4;
	v0 =	vshra.s32 v54, $0x1  }
0x23: {  	s8 =	simm.s32 $0x60;
	s7 =	simm.s32 $0x300;
	s15 =	sadd.s32 $0xFFFFFFFF, s15;
	[tilespmem:$0x270] =	vst v0  }
.LBB2_1:
0x24: {  	[tilespmem:s7], [sflag:$0x1] =	stream.indirect.gather [hbm4b:s6+s8], $0x80, s9, s8, $0xb8;
	[tilespmem:$0x9300] =	vst v63  }
0x25: {  	p0 =	sne.s32 s15, $0x1;
	s15 =	sadd.s32 $0xFFFFFFFF, s15  }
0x26: {  	[tilespmem:s12], [sflag:$0x1] =	stream.indirect.gather [hbm4b:s6+s8], $0x80, s11, s8, $0xb8;
	[tilespmem:$0x9300] =	vst v63  }
0x27: {  	_ = 	snop  }
0x28: {  	[tilespmem:s14], [sflag:$0x1] =	stream.indirect.gather [hbm4b:s6+s8], $0x80, s13, s8, $0xb8;
	[tilespmem:$0x9300] =	vst v63  }
0x29: {  	_ =	swait.ge [sflag:s10], $0x3000  }
0x2a: {  	[sflag:s10] =	ssyncset.done $0x0  }
0x2b: {  	[sflag:s10] =	ssyncadd.s32 $0xFFFFD000  }
0x2c: {  	_ =	swait.ge [sflag:s10], $0x3000  }
0x2d: {  	[sflag:s10] =	ssyncset.done $0x0  }
0x2e: {  	[sflag:s10] =	ssyncadd.s32 $0xFFFFD000  }
0x2f: {  	_ =	swait.ge [sflag:s10], $0x3000  }
0x30: {  	[sflag:s10] =	ssyncset.done $0x0  }
0x31: {  	[sflag:s10] =	ssyncadd.s32 $0xFFFFD000  }
0x32: {  	[hbm4b:s5+s2] =	stream.linear.scatter [tilespmem:s7], [sflag:$0x2], $0x9000, $0x38;
	[tilespmem:$0x9300] =	vst v63  }
0x33: {  	_ =	swait.ge [sflag:s3], $0x9000  }
0x34: {  	[sflag:s3] =	ssyncset.done $0x0  }
0x35: {  	[sflag:s3] =	ssyncadd.s32 $0xFFFF7000  }
0x36: {  	[tilespmem:s2], [sflag:$0x2] =	stream.linear.gather [hbm4b:s4+s2], $0x120, $0x38;
	[tilespmem:$0x9300] =	vst v63  }
0x37: {  	_ =	swait.ge [sflag:s3], $0x120  }
0x38: {  	[sflag:s3] =	ssyncset.done $0x0  }
0x39: {  	[sflag:s3] =	ssyncadd.s32 $0xFFFFFEE0  }
0x3a: {  	v0 =	vld [tilespmem:$0x110]  }
0x3b: {  	v1 =	vld [tilespmem:$0xB0]  }
0x3c: {  	v2 =	vld [tilespmem:$0x100]  }
0x3d: {  	v3 =	vld [tilespmem:$0xE0]  }
0x3e: {  	v4 =	vld [tilespmem:$0xD0]  }
0x3f: {  	v5 =	vld [tilespmem:$0xC0];
	v0 =	vshra.s32 v0, $0x1  }
0x40: {  	v6 =	vld [tilespmem:$0x30];
	v1 =	vshra.s32 v1, $0x1;
	[tilespmem:$0x290] =	vst v0  }
0x41: {  	v0 =	vld [tilespmem:$0xA0];
	[tilespmem:$0x230] =	vst v1;
	v1 =	vshra.s32 v2, $0x1  }
0x42: {  	v2 =	vld [tilespmem:$0x90];
	v3 =	vshra.s32 v3, $0x1;
	[tilespmem:$0x280] =	vst v1  }
0x43: {  	v1 =	vld [tilespmem:$0x80];
	v4 =	vshra.s32 v4, $0x1;
	[tilespmem:$0x260] =	vst v3  }
0x44: {  	v3 =	vld [tilespmem:$0x60];
	v5 =	vshra.s32 v5, $0x1;
	[tilespmem:$0x250] =	vst v4  }
0x45: {  	v4 =	vshra.s32 v6, $0x1;
	v6 =	vld [tilespmem:$0x50];
	[tilespmem:$0x240] =	vst v5  }
0x46: {  	[tilespmem:$0x1B0] =	vst v4;
	v4 =	vld [tilespmem:$0x40];
	v0 =	vshra.s32 v0, $0x1  }
0x47: {  	v2 =	vshra.s32 v2, $0x1;
	[tilespmem:$0x220] =	vst v0;
	v0 =	vld [tilespmem:$0xF0]  }
0x48: {  	v5 =	vld [tilespmem:$0x20];
	v1 =	vshra.s32 v1, $0x1;
	[tilespmem:$0x210] =	vst v2  }
0x49: {  	v2 =	vld [tilespmem:$0x10];
	v3 =	vshra.s32 v3, $0x1;
	[tilespmem:$0x200] =	vst v1  }
0x4a: {  	v1 =	vshra.s32 v6, $0x1;
	[tilespmem:$0x1E0] =	vst v3;
	v3 =	vld [tilespmem:$0x70]  }
0x4b: {  	v6 =	vld [tilespmem:$0x0];
	v4 =	vshra.s32 v4, $0x1;
	[tilespmem:$0x1D0] =	vst v1  }
0x4c: {  	[tilespmem:$0x1C0] =	vst v4;
	v0 =	vshra.s32 v0, $0x1  }
.Ltmp1:
0x4d: {  	v1 =	vshra.s32 v5, $0x1;
	[tilespmem:$0x270] =	vst v0;
	(pc) =	sbr.rel @p0 .LBB2_1-.Ltmp1, $4  }
0x4e: {  	v0 =	vshra.s32 v2, $0x1;
	[tilespmem:$0x1A0] =	vst v1  }
0x4f: {  	[tilespmem:$0x190] =	vst v0;
	v0 =	vshra.s32 v3, $0x1  }
0x50: {  	v1 =	vshra.s32 v6, $0x1;
	[tilespmem:$0x1F0] =	vst v0  }
0x51: {  	[tilespmem:$0x180] =	vst v1  }
.LBB2_2:
0x52: {  	[tilespmem:s7], [sflag:$0x1] =	stream.indirect.gather [hbm4b:s6+s8], $0x80, s9, s8, $0xb8;
	[tilespmem:$0x9300] =	vst v63  }
0x53: {  	_ = 	snop  }
0x54: {  	[tilespmem:s12], [sflag:$0x1] =	stream.indirect.gather [hbm4b:s6+s8], $0x80, s11, s8, $0xb8;
	[tilespmem:$0x9300] =	vst v63  }
0x55: {  	_ = 	snop  }
0x56: {  	[tilespmem:s14], [sflag:$0x1] =	stream.indirect.gather [hbm4b:s6+s8], $0x80, s13, s8, $0xb8;
	[tilespmem:$0x9300] =	vst v63  }
0x57: {  	_ =	swait.ge [sflag:s10], $0x3000  }
0x58: {  	[sflag:s10] =	ssyncset.done $0x0  }
0x59: {  	[sflag:s10] =	ssyncadd.s32 $0xFFFFD000  }
0x5a: {  	_ =	swait.ge [sflag:s10], $0x3000  }
0x5b: {  	[sflag:s10] =	ssyncset.done $0x0  }
0x5c: {  	[sflag:s10] =	ssyncadd.s32 $0xFFFFD000  }
0x5d: {  	_ =	swait.ge [sflag:s10], $0x3000  }
0x5e: {  	[sflag:s10] =	ssyncset.done $0x0  }
0x5f: {  	[sflag:s10] =	ssyncadd.s32 $0xFFFFD000  }
0x60: {  	[hbm4b:s5+s2] =	stream.linear.scatter [tilespmem:s7], [sflag:$0x2], $0x9000, $0x38;
	[tilespmem:$0x9300] =	vst v63  }
0x61: {  	_ =	swait.ge [sflag:s3], $0x9000  }
0x62: {  	[sflag:s3] =	ssyncset.done $0x0  }
0x63: {  	[sflag:s3] =	ssyncadd.s32 $0xFFFF7000  }
0x64: {  	_ =	sfence.sel $0x180000  }
0x65: {  	[bflag:$0x0] =	sbarrier.arrive $0xFFFF  }
0x66: {  	p0 =	sne.s32 s0, $0x0;
	_ =	strace $0x90000047  }
0x67: {  	s0 =	sadd.s32 @!p0 $0x100000, s1;
	[bflag:$0x2] =	sbarrier.arrive $0xFFFF  }
0x68: {  	[sflag:s0] =	ssyncadd.tile.s32 @!p0 $0x1;
	_ =	shalt  }
.Lfunc_end2:
_tile_overlayer_lowered:
.L_overlay_start_2:
0x69: {  	(tag) =	ssettag $0x2  }
0x6a: {  	s0 =	rddreg [dreg:$0x0];
	s2 =	stileid.u32  }
0x6b: {  	s1 =	rddreg [dreg:$0x1];
	p0 =	sne.s32 s2, $0x0  }
0x6c: {  	s3 =	rddreg [dreg:$0x2];
	[bflag:$0x3] =	sbarrier.arrive $0xFFFF;
	s2 =	simm.s32 @!p0 $0x1C02  }
0x6d: {  	[timem:s3], [sflag:s2] =	dma.local @!p0 [hbm:s0], s1  }
0x6e: {  	s0 =	simm.s32 @!p0 $0x2  }
0x6f: {  	_ =	swait.ge @!p0 [sflag:s0], s1  }
0x70: {  	s1 =	ssub.s32 @!p0 $0x0, s1;
	[sflag:s0] =	ssyncset.done @!p0 $0x0  }
0x71: {  	[sflag:s0] =	ssyncadd.s32 @!p0 s1  }
0x72: {  	[bflag:$0x3] =	sbarrier.arrive $0xFFFF  }
0x73: {  	_ =	shalt  }

</sc_bundles>
